<compile_context>
chip_gen: v7x
topology: tpu7x:2x2x1
jax: 0.10.2.dev20260603
libtpu: 0.0.44.dev20260713+nightly
codegen_flags: <defaults>
</compile_context>

<pallas_src>
import jax
import jax.numpy as jnp
from jax.experimental import pallas as pl
from jax.experimental.pallas import tpu as pltpu


def _body(m_ref, out_ref, cnt_acc):
    step = pl.program_id(0)
    nsteps = pl.num_programs(0)

    @pl.when(step == 0)
    def _init():
        cnt_acc[0] = 0

    w = m_ref[...]
    bytesum = jax.lax.shift_right_logical(w * jnp.uint32(0x01010101),
                                          jnp.uint32(24))
    cnt_acc[0] += jnp.sum(bytesum.astype(jnp.int32))

    @pl.when(step == nsteps - 1)
    def _fini():
        out_ref[0] = cnt_acc[0].astype(jnp.float32)


def kernel(y_pred, y_true, mask):
    m32 = mask.view(jnp.uint32)
    rows = m32.size // 512
    m32 = m32.reshape(rows, 512)

    block_rows = 2048
    grid = (rows // block_rows,)

    spec = pl.BlockSpec((block_rows, 512), lambda i: (i, 0))
    out = pl.pallas_call(
        _body,
        grid=grid,
        in_specs=[spec],
        out_specs=pl.BlockSpec(memory_space=pltpu.SMEM),
        out_shape=jax.ShapeDtypeStruct((1,), jnp.float32),
        scratch_shapes=[pltpu.SMEM((1,), jnp.int32)],
    )(m32)
    return out[0]

# --- scband reference (transcript-rebuilt; emitter-appended) ---
"""Pipeline reference for scband-masked-mseloss-27685359190264 (READ-ONLY COPY).

The authoritative reference and input builder live on the scoring server;
editing this copy changes nothing except your own understanding.
"""

import jax, jax.numpy as jnp
import numpy as np


def setup_inputs(seed: int = 0) -> dict:
    key = jax.random.key(seed)
    k1, k2, k3 = jax.random.split(key, 3)
    shape = (2, 8192, 2048)
    y_pred = jax.random.normal(k1, shape, dtype=jnp.float32)
    y_true = jax.random.normal(k2, shape, dtype=jnp.float32)
    mask = jax.random.randint(k3, shape, 0, 2).astype(jnp.bool_)
    return {"y_pred": y_pred, "y_true": y_true, "mask": mask}


def reference(y_pred, y_true, mask):
    # torch.masked_select selects masked elements; MSELoss(reduction='mean')
    # over the selected elements == sum of masked squared diffs / count(mask).
    diff = jnp.where(mask, y_pred - y_true, 0.0)
    sq_sum = jnp.sum(diff * diff)
    cnt = jnp.sum(mask.astype(jnp.float32))
    return sq_sum / cnt

if __name__ == "__main__":
    import jax
    _d = setup_inputs()
    print(jax.jit(kernel)(*tuple(_d.values())))

</pallas_src>

<mosaic_0001>
module attributes {stable_mosaic.version = 14 : i64} {
  func.func @_body(%arg0: i32, %arg1: memref<2048x512xi32, #tpu.memory_space<vmem>>, %arg2: memref<1xf32, #tpu.memory_space<smem>>, %arg3: memref<1xi32, #tpu.memory_space<smem>>) attributes {dimension_semantics = [#tpu.dimension_semantics<arbitrary>], iteration_bounds = array<i64: 8>, scalar_prefetch = 0 : i64, scratch_operands = 1 : i64, tpu.core_type = #tpu.core_type<tc>, window_params = [{transform_indices = @transform_0, window_bounds = array<i64: 2048, 512>}, {transform_indices = @transform_1, window_bounds = array<i64: 1>}]} {
    %eq3A = arith.constant 0 : i32
    %eq3A_0 = arith.cmpi eq, %arg0, %eq3A : i32
    %convert_element_type3A = arith.extui %eq3A_0 : i1 to i32
    %cond3A = arith.constant 0 : i32
    %cond3A_1 = arith.cmpi ne, %convert_element_type3A, %cond3A : i32
    scf.if %cond3A_1 {
      %swap3A_20 = arith.constant 0 : i32
      %swap3A_21 = arith.constant 0 : index
      %swap3A_22 = memref.load %arg3[%swap3A_21] : memref<1xi32, #tpu.memory_space<smem>>
      memref.store %swap3A_20, %arg3[%swap3A_21] : memref<1xi32, #tpu.memory_space<smem>>
    } else {
    }
    %get3A = arith.constant 0 : index
    %get3A_2 = arith.constant 0 : index
    %get3A_3 = vector.load %arg1[%get3A, %get3A_2] : memref<2048x512xi32, #tpu.memory_space<vmem>>, vector<2048x512xi32>
    %mul3A = arith.constant 16843009 : i32
    %mul3A_4 = vector.broadcast %mul3A : i32 to vector<2048x512xi32>
    %mul3A_5 = arith.muli %get3A_3, %mul3A_4 : vector<2048x512xi32>
    %shift_right_logical3A = arith.constant 24 : i32
    %shift_right_logical3A_6 = vector.broadcast %shift_right_logical3A : i32 to vector<2048x512xi32>
    %shift_right_logical3A_7 = arith.shrui %mul3A_5, %shift_right_logical3A_6 : vector<2048x512xi32>
    %get3A_8 = arith.constant 0 : index
    %get3A_9 = memref.load %arg3[%get3A_8] : memref<1xi32, #tpu.memory_space<smem>>
    %reduce_sum3A = vector.shape_cast %shift_right_logical3A_7 : vector<2048x512xi32> to vector<1x2048x512xi32>
    %reduce_sum3A_10 = arith.constant dense<0> : vector<1xi32>
    %reduce_sum3A_11 = vector.multi_reduction <add>, %reduce_sum3A, %reduce_sum3A_10 [1, 2] : vector<1x2048x512xi32> to vector<1xi32>
    %reduce_sum3A_12 = vector.shape_cast %reduce_sum3A_11 : vector<1xi32> to vector<1x1x1xi32>
    %reduce_sum3A_13 = vector.extract %reduce_sum3A_12[0, 0, 0] : i32 from vector<1x1x1xi32>
    %add3A = arith.addi %get3A_9, %reduce_sum3A_13 : i32
    %swap3A = arith.constant 0 : index
    %swap3A_14 = memref.load %arg3[%swap3A] : memref<1xi32, #tpu.memory_space<smem>>
    memref.store %add3A, %arg3[%swap3A] : memref<1xi32, #tpu.memory_space<smem>>
    %eq3A_15 = arith.constant 7 : i32
    %eq3A_16 = arith.cmpi eq, %arg0, %eq3A_15 : i32
    %convert_element_type3A_17 = arith.extui %eq3A_16 : i1 to i32
    %cond3A_18 = arith.constant 0 : i32
    %cond3A_19 = arith.cmpi ne, %convert_element_type3A_17, %cond3A_18 : i32
    scf.if %cond3A_19 {
      %get3A_20 = arith.constant 0 : index
      %get3A_21 = memref.load %arg3[%get3A_20] : memref<1xi32, #tpu.memory_space<smem>>
      %convert_element_type3A_22 = arith.sitofp %get3A_21 : i32 to f32
      %swap3A_23 = arith.constant 0 : index
      %swap3A_24 = memref.load %arg2[%swap3A_23] : memref<1xf32, #tpu.memory_space<smem>>
      memref.store %convert_element_type3A_22, %arg2[%swap3A_23] : memref<1xf32, #tpu.memory_space<smem>>
    } else {
    }
    return
  }
  func.func @transform_0(%arg0: i32) -> (i32, i32) {
    %c0_i32 = arith.constant 0 : i32
    %c0_i32_0 = arith.constant 0 : i32
    return %arg0, %c0_i32 : i32, i32
  }
  func.func @transform_1(%arg0: i32) -> i32 {
    %c0_i32 = arith.constant 0 : i32
    %c0_i32_0 = arith.constant 0 : i32
    return %c0_i32 : i32
  }
}

</mosaic_0001>

<sc_bundles>
// kernel: sparse-core-data-format-call.1.cloned.1.call-start
scs
called_computation.1_lowered:
.L_overlay_start_0:
0x0: {  	s1 =	sld [smem:$0x3FD9]  }
0x1: {  	s2 =	sld [smem:$0x3FFE];
	_ =	sdelay $0x1  }
0x2: {  	s3 =	srdreg.scid  }
0x3: {  	s0 =	sand.u32 $0x1, s3  }
0x4: {  	s17 =	sshll.u32 s0, $0xA;
	s1 =	sadd.s32 s2, s1  }
0x5: {  	s1 =	sadd.s32 s1, s17  }
0x6: {  	[smem:$0x3FC7] =	sst s1  }
0x7: {  	_ = 	snop  }
0x8: {  	(tm) =	ssettm $0x1  }
0x9: {  	s18 =	sld [smem:$0x3FFB];
	_ =	sdelay $0x3  }
0xa: {  	_ =	strace s18  }
0xb: {  	s1 =	sld [smem:$0x3FFC];
	_ =	sdelay $0x3  }
0xc: {  	_ =	strace s1  }
0xd: {  	s1 =	sld [smem:$0x3FFD];
	_ =	sdelay $0x3  }
0xe: {  	_ =	strace s1  }
0xf: {  	_ =	strace $0x8FFFFFFF  }
0x10: {  	s19 =	sld [smem:$0x3FDB];
	_ =	sdelay $0x1  }
0x11: {  	s20 =	simm.s32 $_scs_section_size  }
0x12: {  	s4 =	simm.s32 $_size__tile_overlayer_lowered;
	s5 =	simm.s32 $_tile_overlayer_lowered  }
0x13: {  	s23 =	simm.s32 $0x1BFF;
	s22 =	sshll.u32 s5, $0x1;
	s1 =	sadd.s32 s20, s19  }
0x14: {  	s6 =	simm.s32 $0x0;
	s21 =	sshll.u32 s4, $0x1;
	s4 =	sadd.s32 s22, s1  }
0x15: {  	[timem:s6], [sflag:s23] =	dma.local [hbm:s4], s21  }
0x16: {  	_ =	swait.ge [sflag:s23], s21  }
0x17: {  	s2 =	ssub.s32 $0x0, s21;
	[sflag:s23] =	ssyncset.done $0x0  }
0x18: {  	[sflag:s23] =	ssyncadd.s32 s2;
	_ =	sdelay $0x1  }
0x19: {  	s24 =	simm.s32 $0x1B8B  }
0x1a: {  	_ =	swait.ge [sflag:s24], $0x1  }
0x1b: {  	[sflag:s24] =	ssyncset.done $0x0  }
0x1c: {  	s26 =	simm.s32 $0x1B8E;
	s25 =	sld [smem:$0x3FFE];
	[sflag:s24] =	ssyncadd.s32 $0xFFFFFFFF  }
0x1d: {  	s27 =	simm.s32 $execute0_lowered;
	[smem:$0x3FD2] =	sst s26  }
0x1e: {  	s4 =	sshll.u32 s27, $0x1;
	_ =	strace $0x80000046;
	[dreg:$0x1] =	wrdreg $0xFFFFFFFF  }
0x1f: {  	s28 =	simm.s32 $_size_execute0_lowered;
	s1 =	sadd.s32 s1, s4;
	[dreg:$0x0] =	wrdreg $0x0  }
0x20: {  	s4 =	sshll.u32 s28, $0x1;
	[dreg:$0x2] =	wrdreg s1  }
0x21: {  	[dreg:$0x3] =	wrdreg s4  }
0x22: {  	[dreg:$0x4] =	wrdreg $0xC0  }
0x23: {  	_ =	task [dreg:s6], $0x5FFFF  }
0x24: {  	[dreg:$0x1] =	wrdreg $0xFFFFFFFF  }
0x25: {  	[dreg:$0x0] =	wrdreg $0x60  }
0x26: {  	[dreg:$0x2] =	wrdreg s25  }
0x27: {  	[dreg:$0x3] =	wrdreg $0x9  }
0x28: {  	_ =	task.clear_ibuf [dreg:s6], $0x4FFFF;
	_ =	strace $0x90000046  }
0x29: {  	s29 =	simm.s32 $0x9;
	_ =	strace $0x80000048  }
0x2a: {  	_ =	swait.ge [sflag:s29], $0x1  }
0x2b: {  	[sflag:s29] =	ssyncadd.s32 $0xFFFFFFFF  }
0x2c: {  	_ =	strace $0x90000048  }
0x2d: {  	_ =	sfence  }
0x2e: {  	s30 =	sld [smem:$0x0];
	_ =	sdelay $0x2  }
0x2f: {  	s31 =	sshll.u32 s3, $0xD;
	s3 =	sshrl.u32 s3, $0x2  }
0x30: {  	s2 =	sand.u32 $0x4000, s31;
	s1 =	sadd.s32 s3, s30  }
0x31: {  	s0 =	sor.u32 s2, s0;
	s1 =	sshll.u32 s1, $0x11  }
0x32: {  	s0 =	sor.u32 s1, s0  }
0x33: {  	s0 =	sadd.s32 $0x8F2B, s0  }
0x34: {  	[sflag:s0] =	ssyncadd.remote.s32 $0x1  }
0x35: {  	_ =	sfence.sel $0xFFFF  }
0x36: {  	[dreg:$0x0] =	wrdreg $0xFFFFFFFF;
	(pc) =	sbr.abs _section_cstart, $3  }
0x37: {  	[dreg:$0x1] =	wrdreg $0xFFFFFFFF  }
0x38: {  	_ =	task.clear_ibuf [dreg:s6], $0x2FFFF;
	_ =	strace $0x9FFFFFFF  }
0x39: {  	(tm) =	ssettm $0x7FFFFFFF  }
tec
execute0_lowered:
.L_overlay_start_1:
0x0: {  	(tag) =	ssettag $0x1  }
0x1: {  	s0 =	stileid.u32  }
0x2: {  	s1 =	srdreg.scid;
	s5 =	rddreg [dreg:$0x0];
	s31 =	simm.s32 $0x2  }
0x3: {  	s15 =	simm.s32 $0x0;
	s2 =	sshll.u32 s0, $0x6;
	s1 =	sshll.u32 s1, $0xA  }
0x4: {  	s9 =	simm.s32 $0x4000;
	s14 =	simm.s32 $0x0;
	s1 =	sor.u32 s2, s1  }
0x5: {  	s16 =	simm.s32 $0x0;
	s10 =	simm.s32 $0x0;
	s1 =	sand.u32 $0x780, s1  }
0x6: {  	s13 =	simm.s32 $0x0;
	s2 =	sand.u32 $0x1, s0;
	s3 =	ssub.s32 $0x2000, s1  }
0x7: {  	s4 =	ssub.s32 $0x2, s2;
	s12 =	smov.u32 s2;
	s6 =	sand.u32 $0x780, s3  }
0x8: {  	s7 =	sshrl.u32 s4, $0x1;
	p0 =	sne.s32 s6, $0x0;
	s6 =	simm.s32 $0x1  }
0x9: {  	s4 =	sand.u32 $0x1, s4;
	s8 =	sshrl.u32 s3, $0xB;
	s6 =	simm.s32 @!p0 $0x0  }
.Ltmp0:
0xa: {  	s4 =	sadd.s32 s4, s7;
	s6 =	sadd.s32 s6, s8;
	(pc) =	sbr.rel .LBB1_1-.Ltmp0, $4  }
0xb: {  	s11 =	smov.u32 s1;
	s3 =	rddreg [dreg:$0x1];
	s7 =	smul.u32 s6, s4  }
0xc: {  	_ =	strace $0x80000047;
	p0 =	por $0x0, $0x0;
	s6 =	simm.s32 $0x1  }
0xd: {  	s4 =	sadd.s32 $0x400, s5;
	[sflag:s6] =	ssyncpa.u1 $0x0;
	s7 =	sshll.u32 s7, $0x4  }
0xe: {  	s5 =	sadd.s32 $0x400400, s5;
	[sflag:s31] =	ssyncpa.u1 $0x0;
	s8 =	sor.u32 $0x1, s7  }
.LBB1_4:
0xf: {  	v5 =	vld [tilespmem:s20+$0xFFFFFFD0];
	[tilespmem:s19+$0x2040 ss:$0x81] =	vst.msk $0xffff, v1  }
0x10: {  	v58 =	vld [tilespmem:s20+$0xFFFFFFE0];
	[tilespmem:s19+$0x2850 ss:$0x81] =	vst.msk $0xffff, v2  }
0x11: {  	s21 =	sshra.s32 s21, $0x2;
	v59 =	vld [tilespmem:s20+$0xFFFFFFF0];
	[tilespmem:s19+$0x3060 ss:$0x81] =	vst.msk $0xffff, v3  }
0x12: {  	v60 =	vld [tilespmem:s20+$0x0];
	[tilespmem:s19+$0x0 ss:$0x81] =	vst.msk $0xffff, v0;
	s18 =	sadd.s32 s21, s18  }
0x13: {  	v61 =	vld [tilespmem:s20+$0x10];
	[tilespmem:s18+$0x3870 ss:$0x81] =	vst.msk $0xffff, v4  }
0x14: {  	v62 =	vld [tilespmem:s20+$0x20];
	[tilespmem:s18+$0x810 ss:$0x81] =	vst.msk $0xffff, v5  }
0x15: {  	s16 =	sshll.u32 s16, $0x7;
	v63 =	vld [tilespmem:s20+$0xFFFFFFC0];
	s28 =	sand.u32 $0x78, s14;
	s29 =	sshll.u32 s14, $0x1;
	[tilespmem:s18+$0x1020 ss:$0x81] =	vst.msk $0xffff, v58  }
0x16: {  	s15 =	sshll.u32 s15, $0xB;
	s30 =	sshrl.u32 s14, $0x2;
	s16 =	sand.u32 $0x80, s16;
	[tilespmem:s18+$0x1830 ss:$0x81] =	vst.msk $0xffff, v59  }
0x17: {  	s31 =	sand.u32 $0x7, s14;
	s20 =	sand.u32 $0x1F00, s29;
	s16 =	sor.u32 s16, s28;
	[tilespmem:s18+$0x2040 ss:$0x81] =	vst.msk $0xffff, v60  }
0x18: {  	s19 =	sand.u32 $0x400, s30;
	s15 =	sadd.s32 s5, s15;
	s16 =	sor.u32 s20, s16;
	[tilespmem:s18+$0x2850 ss:$0x81] =	vst.msk $0xffff, v61  }
0x19: {  	s14 =	sshll.u32 s31, $0x12;
	s15 =	sadd.s32 s19, s15;
	s16 =	sshrl.u32 s16, $0x3;
	[tilespmem:s18+$0x3060 ss:$0x81] =	vst.msk $0xffff, v62  }
0x1a: {  	s14 =	sor.u32 $0x80, s14;
	[tilespmem:s18+$0x0 ss:$0x81] =	vst.msk $0xffff, v63;
	s15 =	sadd.s32 s16, s15  }
0x1b: {  	[hbm4b:s15+s14] =	stream.strided.scatter [tilespmem:s17], [sflag:$0x2], $0x4000, s9, s14, $0x20;
	[tilespmem:$0x10100] =	vst v63  }
.LBB1_5:
0x1c: {  	s17 =	sadd.s32 $0x80, s10  }
0x1d: {  	s14 =	sadd.s32 $0x800, s11;
	s18 =	smov.u32 s11;
	p2 =	sgt.s32 s17, $0x7FF  }
0x1e: {  	s18 =	smov.u32 @p2 s14  }
0x1f: {  	s20 =	smov.u32 s12;
	s14 =	sadd.s32 $0x2, s12;
	p3 =	sgt.s32 s18, $0x1FFF  }
0x20: {  	s20 =	smov.u32 @p3 s14  }
0x21: {  	s17 =	simm.s32 @p2 $0x0;
	p2 =	sgt.s32 s20, $0x1  }
0x22: {  	p1 =	slt.u32 s13, $0x2;
	s20 =	smov.u32 @p2 s2;
	p2 =	sne.s32 s13, s8  }
.Ltmp1:
0x23: {  	s19 =	simm.s32 @!p1 $0x2;
	(pc) =	sbr.rel @!p2 .LBB1_6-.Ltmp1, $4  }
0x24: {  	s15 =	smov.u32 s10;
	s16 =	smov.u32 s12;
	_ =	swait.ge @!p1 [sflag:s19], $0x4000  }
0x25: {  	p0 =	por !p0, !p0;
	[sflag:s19] =	ssyncset.done @!p1 $0x0;
	s10 =	smov.u32 s17  }
0x26: {  	s18 =	smov.u32 @p3 s1;
	s14 =	smov.u32 s11;
	[sflag:s19] =	ssyncadd.s32 @!p1 $0xFFFFC000  }
0x27: {  	s11 =	smov.u32 s18;
	s13 =	sadd.s32 $0x1, s13;
	s12 =	smov.u32 s20  }
.LBB1_1:
0x28: {  	p1 =	sge.u32 s13, s7;
	s31 =	sadd.s32 $0xFFFFFFFF, s13  }
0x29: {  	s17 =	sxor.u32 @!p1 $0xFFFFFFFF, s13;
	s18 =	sand.u32 @!p1 $0x78, s10;
	s19 =	sshll.u32 @!p1 s11, $0xB  }
0x2a: {  	s20 =	sshll.u32 @!p1 s11, $0x7;
	s21 =	sshll.u32 @!p1 s10, $0x3;
	s17 =	sshll.u32 @!p1 s17, $0xE  }
0x2b: {  	s19 =	sand.u32 @!p1 $0xFFC000, s19;
	s20 =	sand.u32 @!p1 $0x380, s20;
	s17 =	sand.u32 @!p1 $0x4000, s17  }
0x2c: {  	s19 =	sadd.s32 @!p1 s19, s21;
	s21 =	sand.u32 @!p1 $0x400, s21;
	s18 =	sor.u32 @!p1 s20, s18  }
0x2d: {  	s20 =	sshll.u32 @!p1 s12, $0x15;
	s18 =	sor.u32 @!p1 s21, s18;
	s19 =	sshrl.u32 @!p1 s19, $0x3  }
0x2e: {  	s20 =	sadd.s32 @!p1 s4, s20;
	s21 =	sand.u32 @!p1 $0x7, s10;
	s19 =	sand.u32 @!p1 $0x1FFF00, s19  }
0x2f: {  	s18 =	sshrl.u32 @!p1 s18, $0x3;
	s19 =	sadd.s32 @!p1 s19, s20;
	s20 =	sshll.u32 @!p1 s21, $0x12  }
0x30: {  	s18 =	sadd.s32 @!p1 s18, s19;
	s19 =	sor.u32 @!p1 $0x400, s20;
	s20 =	simm.s32 @!p1 $0x4000  }
0x31: {  	[tilespmem:s17], [sflag:$0x1] =	stream.strided.gather @!p1 [hbm4b:s18+s19], $0x4000, s20, s19, $0x38;
	[tilespmem:$0x10100] =	vst v63  }
0x32: {  	p1 =	sge.u32 s31, s7  }
.Ltmp2:
0x33: {  	_ = 	snop;
	(pc) =	sbr.rel @p1 .LBB1_5-.Ltmp2, $1  }
0x34: {  	_ =	sdelay $0x3  }
0x35: {  	s17 =	simm.s32 $0x1  }
0x36: {  	_ =	swait.ge [sflag:s6], $0x4000;
	s17 =	simm.s32 @!p0 $0x0  }
0x37: {  	[sflag:s6] =	ssyncset.done $0x0;
	s18 =	sshll.u32 s17, $0xE  }
0x38: {  	[sflag:s6] =	ssyncadd.s32 $0xFFFFC000;
	s20 =	sor.u32 $0x40, s18  }
0x39: {  	s17 =	smul.u32 $0x10200, s17;
	v0 =	vld [tilespmem:s20+$0x30]  }
0x3a: {  	v3 =	vld [tilespmem:s20+$0xFFFFFFD0]  }
0x3b: {  	s17 =	sshrl.u32 s17, $0x2;
	v4 =	vld [tilespmem:s20+$0xFFFFFFE0]  }
0x3c: {  	v5 =	vld [tilespmem:s20+$0xFFFFFFF0];
	s18 =	sor.u32 $0x8000, s17  }
0x3d: {  	s31 =	sand.u32 $0x1, s13;
	v1 =	vld [tilespmem:s20+$0x0];
	s19 =	sadd.s32 $0x0, s18  }
0x3e: {  	v2 =	vld [tilespmem:s20+$0x10];
	s17 =	smul.u32 $0x10200, s31;
	[tilespmem:s19+$0x3870 ss:$0x81] =	vst.msk $0xffff, v0  }
0x3f: {  	[tilespmem:s19+$0x810 ss:$0x81] =	vst.msk $0xffff, v3;
	v3 =	vld [tilespmem:s20+$0x20]  }
0x40: {  	s17 =	sshrl.u32 s17, $0x2;
	v0 =	vld [tilespmem:s20+$0xFFFFFFC0];
	[tilespmem:s19+$0x1020 ss:$0x81] =	vst.msk $0xffff, v4;
	s20 =	sadd.s32 $0x80, s20  }
0x41: {  	s21 =	simm.s32 $0x4;
	s22 =	simm.s32 $0x8;
	s17 =	sor.u32 $0x8000, s17;
	[tilespmem:s19+$0x1830 ss:$0x81] =	vst.msk $0xffff, v5;
	v4 =	vld [tilespmem:s20+$0x30]  }
.LBB1_3:
0x42: {  	p1 =	sne.s32 s22, $0x1FC;
	v5 =	vld [tilespmem:s20+$0xFFFFFFD0];
	[tilespmem:s19+$0x2040 ss:$0x81] =	vst.msk $0xffff, v1  }
0x43: {  	v6 =	vld [tilespmem:s20+$0xFFFFFFE0];
	[tilespmem:s19+$0x2850 ss:$0x81] =	vst.msk $0xffff, v2  }
0x44: {  	s23 =	sshra.s32 s21, $0x2;
	s21 =	smov.u32 s22;
	v7 =	vld [tilespmem:s20+$0xFFFFFFF0];
	[tilespmem:s19+$0x3060 ss:$0x81] =	vst.msk $0xffff, v3  }
.Ltmp3:
0x45: {  	v1 =	vld [tilespmem:s20+$0x0];
	[tilespmem:s19+$0x0 ss:$0x81] =	vst.msk $0xffff, v0;
	s19 =	sadd.s32 s23, s18;
	(pc) =	sbr.rel @p1 .LBB1_3-.Ltmp3, $4  }
0x46: {  	v2 =	vld [tilespmem:s20+$0x10];
	[tilespmem:s19+$0x3870 ss:$0x81] =	vst.msk $0xffff, v4  }
0x47: {  	[tilespmem:s19+$0x810 ss:$0x81] =	vst.msk $0xffff, v5;
	v3 =	vld [tilespmem:s20+$0x20]  }
0x48: {  	v0 =	vld [tilespmem:s20+$0xFFFFFFC0];
	[tilespmem:s19+$0x1020 ss:$0x81] =	vst.msk $0xffff, v6;
	s20 =	sadd.s32 $0x80, s20  }
0x49: {  	s22 =	sadd.s32 $0x4, s22;
	v4 =	vld [tilespmem:s20+$0x30];
	[tilespmem:s19+$0x1830 ss:$0x81] =	vst.msk $0xffff, v7  }
.Ltmp4:
0x4a: {  	_ = 	snop;
	(pc) =	sbr.rel .LBB1_4-.Ltmp4, $1  }
0x4b: {  	_ =	sdelay $0x3  }
.LBB1_6:
0x4c: {  	_ =	sfence.sel $0x180000  }
0x4d: {  	s1 =	simm.s32 $0x1;
	[bflag:$0x0] =	sbarrier.arrive $0xFFFF  }
0x4e: {  	s31 =	simm.s32 $0x2;
	[sflag:s1] =	ssyncpa.u1 $0x1  }
0x4f: {  	[sflag:s31] =	ssyncpa.u1 $0x1  }
0x50: {  	p0 =	sne.s32 s0, $0x0;
	_ =	strace $0x90000047  }
0x51: {  	s0 =	sadd.s32 @!p0 $0x100000, s3;
	[bflag:$0x2] =	sbarrier.arrive $0xFFFF  }
0x52: {  	[sflag:s0] =	ssyncadd.tile.s32 @!p0 $0x1;
	_ =	shalt  }
.Lfunc_end1:
_tile_overlayer_lowered:
.L_overlay_start_2:
0x53: {  	(tag) =	ssettag $0x2  }
0x54: {  	s0 =	rddreg [dreg:$0x0];
	s2 =	stileid.u32  }
0x55: {  	s1 =	rddreg [dreg:$0x1];
	p0 =	sne.s32 s2, $0x0  }
0x56: {  	s3 =	rddreg [dreg:$0x2];
	[bflag:$0x3] =	sbarrier.arrive $0xFFFF;
	s2 =	simm.s32 @!p0 $0x1C01  }
0x57: {  	[timem:s3], [sflag:s2] =	dma.local @!p0 [hbm:s0], s1  }
0x58: {  	s0 =	simm.s32 @!p0 $0x1  }
0x59: {  	_ =	swait.ge @!p0 [sflag:s0], s1  }
0x5a: {  	s1 =	ssub.s32 @!p0 $0x0, s1;
	[sflag:s0] =	ssyncset.done @!p0 $0x0  }
0x5b: {  	[sflag:s0] =	ssyncadd.s32 @!p0 s1  }
0x5c: {  	[bflag:$0x3] =	sbarrier.arrive $0xFFFF  }
0x5d: {  	_ =	shalt  }

// kernel: sparse-core-data-format-call.cloned.1.call-start
scs
called_computation_lowered:
.L_overlay_start_0:
0x0: {  	s1 =	sld [smem:$0x3FD9]  }
0x1: {  	s2 =	sld [smem:$0x3FFE];
	_ =	sdelay $0x1  }
0x2: {  	s3 =	srdreg.scid  }
0x3: {  	s0 =	sand.u32 $0x1, s3  }
0x4: {  	s17 =	sshll.u32 s0, $0xA;
	s1 =	sadd.s32 s2, s1  }
0x5: {  	s1 =	sadd.s32 s1, s17  }
0x6: {  	[smem:$0x3FC7] =	sst s1  }
0x7: {  	_ = 	snop  }
0x8: {  	(tm) =	ssettm $0x1  }
0x9: {  	s18 =	sld [smem:$0x3FFB];
	_ =	sdelay $0x3  }
0xa: {  	_ =	strace s18  }
0xb: {  	s1 =	sld [smem:$0x3FFC];
	_ =	sdelay $0x3  }
0xc: {  	_ =	strace s1  }
0xd: {  	s1 =	sld [smem:$0x3FFD];
	_ =	sdelay $0x3  }
0xe: {  	_ =	strace s1  }
0xf: {  	_ =	strace $0x8FFFFFFF  }
0x10: {  	s19 =	sld [smem:$0x3FDB];
	_ =	sdelay $0x1  }
0x11: {  	s20 =	simm.s32 $_scs_section_size  }
0x12: {  	s4 =	simm.s32 $_size__tile_overlayer_lowered;
	s5 =	simm.s32 $_tile_overlayer_lowered  }
0x13: {  	s23 =	simm.s32 $0x1BFF;
	s22 =	sshll.u32 s5, $0x1;
	s1 =	sadd.s32 s20, s19  }
0x14: {  	s6 =	simm.s32 $0x0;
	s21 =	sshll.u32 s4, $0x1;
	s4 =	sadd.s32 s22, s1  }
0x15: {  	[timem:s6], [sflag:s23] =	dma.local [hbm:s4], s21  }
0x16: {  	_ =	swait.ge [sflag:s23], s21  }
0x17: {  	s2 =	ssub.s32 $0x0, s21;
	[sflag:s23] =	ssyncset.done $0x0  }
0x18: {  	[sflag:s23] =	ssyncadd.s32 s2;
	_ =	sdelay $0x1  }
0x19: {  	s24 =	simm.s32 $0x1B8B  }
0x1a: {  	_ =	swait.ge [sflag:s24], $0x1  }
0x1b: {  	[sflag:s24] =	ssyncset.done $0x0  }
0x1c: {  	s26 =	simm.s32 $0x1B8E;
	s25 =	sld [smem:$0x3FFE];
	[sflag:s24] =	ssyncadd.s32 $0xFFFFFFFF  }
0x1d: {  	s27 =	simm.s32 $execute0_lowered;
	[smem:$0x3FD2] =	sst s26  }
0x1e: {  	s4 =	sshll.u32 s27, $0x1;
	_ =	strace $0x80000049;
	[dreg:$0x1] =	wrdreg $0xFFFFFFFF  }
0x1f: {  	s28 =	simm.s32 $_size_execute0_lowered;
	s1 =	sadd.s32 s1, s4;
	[dreg:$0x0] =	wrdreg $0x0  }
0x20: {  	s4 =	sshll.u32 s28, $0x1;
	[dreg:$0x2] =	wrdreg s1  }
0x21: {  	[dreg:$0x3] =	wrdreg s4  }
0x22: {  	[dreg:$0x4] =	wrdreg $0xC0  }
0x23: {  	_ =	task [dreg:s6], $0x5FFFF  }
0x24: {  	[dreg:$0x1] =	wrdreg $0xFFFFFFFF  }
0x25: {  	[dreg:$0x0] =	wrdreg $0x60  }
0x26: {  	[dreg:$0x2] =	wrdreg s25  }
0x27: {  	[dreg:$0x3] =	wrdreg $0x9  }
0x28: {  	_ =	task.clear_ibuf [dreg:s6], $0x4FFFF;
	_ =	strace $0x90000049  }
0x29: {  	s29 =	simm.s32 $0x9;
	_ =	strace $0x8000004B  }
0x2a: {  	_ =	swait.ge [sflag:s29], $0x1  }
0x2b: {  	[sflag:s29] =	ssyncadd.s32 $0xFFFFFFFF  }
0x2c: {  	_ =	strace $0x9000004B  }
0x2d: {  	_ =	sfence  }
0x2e: {  	s30 =	sld [smem:$0x0];
	_ =	sdelay $0x2  }
0x2f: {  	s31 =	sshll.u32 s3, $0xD;
	s3 =	sshrl.u32 s3, $0x2  }
0x30: {  	s2 =	sand.u32 $0x4000, s31;
	s1 =	sadd.s32 s3, s30  }
0x31: {  	s0 =	sor.u32 s2, s0;
	s1 =	sshll.u32 s1, $0x11  }
0x32: {  	s0 =	sor.u32 s1, s0  }
0x33: {  	s0 =	sadd.s32 $0x8F2B, s0  }
0x34: {  	[sflag:s0] =	ssyncadd.remote.s32 $0x1  }
0x35: {  	_ =	sfence.sel $0xFFFF  }
0x36: {  	[dreg:$0x0] =	wrdreg $0xFFFFFFFF;
	(pc) =	sbr.abs _section_cstart, $3  }
0x37: {  	[dreg:$0x1] =	wrdreg $0xFFFFFFFF  }
0x38: {  	_ =	task.clear_ibuf [dreg:s6], $0x2FFFF;
	_ =	strace $0x9FFFFFFF  }
0x39: {  	(tm) =	ssettm $0x7FFFFFFF  }
tec
execute0_lowered:
.L_overlay_start_1:
0x0: {  	(tag) =	ssettag $0x1  }
0x1: {  	s0 =	stileid.u32;
	s8 =	rddreg [dreg:$0x0]  }
0x2: {  	s3 =	srdreg.scid;
	s31 =	simm.s32 $0x2;
	s17 =	simm.s32 $0x0  }
0x3: {  	s10 =	simm.s32 $0x1000;
	s16 =	simm.s32 $0x0;
	s15 =	simm.s32 $0x0  }
0x4: {  	s14 =	simm.s32 $0x0;
	s1 =	sshll.u32 s0, $0x7;
	s2 =	sshrl.u32 s0, $0x2  }
0x5: {  	s5 =	sshll.u32 s0, $0x4;
	s3 =	sshll.u32 s3, $0x8;
	s1 =	sand.u32 $0x180, s1  }
0x6: {  	s2 =	sand.u32 $0x1, s2;
	s3 =	sor.u32 s5, s3;
	s4 =	ssub.s32 $0x200, s1  }
0x7: {  	s5 =	simm.s32 $0x1;
	s3 =	sand.u32 $0x180, s3;
	s6 =	sand.u32 $0x180, s4  }
0x8: {  	s28 =	ssub.s32 $0x2, s2;
	s12 =	smov.u32 s2;
	p0 =	sne.s32 s6, $0x0  }
0x9: {  	s4 =	sshrl.u32 s4, $0x9;
	s29 =	ssub.s32 $0x2000, s3;
	s5 =	simm.s32 @!p0 $0x0  }
0xa: {  	s7 =	sshrl.u32 s28, $0x1;
	s4 =	sadd.s32 s5, s4;
	s5 =	sand.u32 $0x1, s28  }
0xb: {  	s13 =	smov.u32 s1;
	s9 =	sand.u32 $0x180, s29;
	s5 =	sadd.s32 s5, s7  }
0xc: {  	p0 =	sne.s32 s9, $0x0;
	s7 =	simm.s32 $0x1;
	s30 =	smul.u32 s5, s4  }
.Ltmp0:
0xd: {  	s6 =	sshrl.u32 s29, $0x9;
	s7 =	simm.s32 @!p0 $0x0;
	(pc) =	sbr.rel .LBB1_1-.Ltmp0, $4  }
0xe: {  	s11 =	smov.u32 s3;
	s4 =	rddreg [dreg:$0x1];
	s6 =	sadd.s32 s7, s6  }
0xf: {  	_ =	strace $0x8000004A;
	s5 =	simm.s32 $0x1;
	s6 =	smul.u32 s6, s30  }
0x10: {  	p0 =	por $0x0, $0x0;
	s7 =	sadd.s32 $0x400, s8;
	[sflag:s5] =	ssyncpa.u1 $0x0  }
0x11: {  	s8 =	sadd.s32 $0x100400, s8;
	[sflag:s31] =	ssyncpa.u1 $0x0;
	s9 =	sadd.s32 $0x1, s6  }
.LBB1_4:
0x12: {  	v5 =	vld [tilespmem:s20+$0xFFFFFFD0]  }
0x13: {  	[tilespmem:s21+$0x2040 ss:$0x81] =	vst.msk $0xffff, v1;
	v58 =	vld [tilespmem:s20+$0xFFFFFFE0]  }
0x14: {  	[tilespmem:s21+$0x2850 ss:$0x81] =	vst.msk $0xffff, v2;
	v59 =	vld [tilespmem:s20+$0xFFFFFFF0]  }
0x15: {  	s22 =	sshra.s32 s22, $0x2;
	[tilespmem:s21+$0x3060 ss:$0x81] =	vst.msk $0xffff, v3;
	v60 =	vld [tilespmem:s20+$0x0]  }
0x16: {  	[tilespmem:s21+$0x0 ss:$0x81] =	vst.msk $0xffff, v0;
	v61 =	vld [tilespmem:s20+$0x10];
	s19 =	sadd.s32 s22, s19  }
0x17: {  	s25 =	sshll.u32 s17, $0x9;
	v62 =	vld [tilespmem:s20+$0x20];
	[tilespmem:s19+$0x3870 ss:$0x81] =	vst.msk $0xffff, v4  }
0x18: {  	s26 =	sshll.u32 s15, $0x3;
	s27 =	sshll.u32 s17, $0x7;
	v63 =	vld [tilespmem:s20+$0xFFFFFFC0];
	s30 =	sand.u32 $0x78, s15;
	[tilespmem:s19+$0x810 ss:$0x81] =	vst.msk $0xffff, v5  }
0x19: {  	s16 =	sshll.u32 s16, $0x13;
	s21 =	sand.u32 $0x3FF000, s25;
	s22 =	sand.u32 $0x3FFC00, s26;
	[tilespmem:s19+$0x1020 ss:$0x81] =	vst.msk $0xffff, v58  }
0x1a: {  	s29 =	sand.u32 $0x200, s27;
	s17 =	sand.u32 $0x180, s27;
	s28 =	sadd.s32 s22, s21;
	[tilespmem:s19+$0x1830 ss:$0x81] =	vst.msk $0xffff, v59  }
0x1b: {  	s31 =	sand.u32 $0x7, s15;
	s17 =	sor.u32 s30, s17;
	s20 =	sor.u32 s29, s28;
	[tilespmem:s19+$0x2040 ss:$0x81] =	vst.msk $0xffff, v60  }
0x1c: {  	s16 =	sadd.s32 s8, s16;
	s17 =	sshrl.u32 s17, $0x3;
	s20 =	sshrl.u32 s20, $0x3;
	[tilespmem:s19+$0x2850 ss:$0x81] =	vst.msk $0xffff, v61  }
0x1d: {  	s15 =	sshll.u32 s31, $0x12;
	s16 =	sadd.s32 s17, s16;
	[tilespmem:s19+$0x3060 ss:$0x81] =	vst.msk $0xffff, v62;
	s20 =	sand.u32 $0x7FFC0, s20  }
0x1e: {  	s15 =	sor.u32 $0x400, s15;
	[tilespmem:s19+$0x0 ss:$0x81] =	vst.msk $0xffff, v63;
	s16 =	sadd.s32 s20, s16  }
0x1f: {  	[hbm4b:s16+s15] =	stream.strided.scatter [tilespmem:s18], [sflag:$0x2], $0x4000, s10, s15, $0x20;
	[tilespmem:$0x10100] =	vst v63  }
.LBB1_5:
0x20: {  	s18 =	sadd.s32 $0x200, s11  }
0x21: {  	s15 =	sadd.s32 $0x2, s12;
	s19 =	smov.u32 s12;
	p2 =	sgt.s32 s18, $0x1FFF  }
0x22: {  	s19 =	smov.u32 @p2 s15  }
0x23: {  	s21 =	smov.u32 s13;
	s15 =	sadd.s32 $0x200, s13;
	p3 =	sgt.s32 s19, $0x1  }
0x24: {  	s21 =	smov.u32 @p3 s15  }
0x25: {  	s18 =	smov.u32 @p2 s3;
	p2 =	sgt.s32 s21, $0x1FF  }
0x26: {  	p1 =	slt.u32 s14, $0x2;
	s21 =	smov.u32 @p2 s1;
	p2 =	sne.s32 s14, s9  }
.Ltmp1:
0x27: {  	s20 =	simm.s32 @!p1 $0x2;
	(pc) =	sbr.rel @!p2 .LBB1_6-.Ltmp1, $4  }
0x28: {  	s17 =	smov.u32 s11;
	s16 =	smov.u32 s12;
	_ =	swait.ge @!p1 [sflag:s20], $0x4000  }
0x29: {  	p0 =	por !p0, !p0;
	[sflag:s20] =	ssyncset.done @!p1 $0x0;
	s11 =	smov.u32 s18  }
0x2a: {  	s19 =	smov.u32 @p3 s2;
	s15 =	smov.u32 s13;
	[sflag:s20] =	ssyncadd.s32 @!p1 $0xFFFFC000  }
0x2b: {  	s12 =	smov.u32 s19;
	s14 =	sadd.s32 $0x1, s14;
	s13 =	smov.u32 s21  }
.LBB1_1:
0x2c: {  	p1 =	sge.u32 s14, s6  }
0x2d: {  	s18 =	sshll.u32 @!p1 s12, $0x7  }
0x2e: {  	s19 =	sand.u32 @!p1 $0x78, s11;
	s20 =	sshll.u32 @!p1 s11, $0x1;
	s18 =	sand.u32 @!p1 $0x80, s18  }
0x2f: {  	s31 =	sadd.s32 $0xFFFFFFFF, s14;
	s20 =	sand.u32 @!p1 $0x1F00, s20;
	s18 =	sor.u32 @!p1 s18, s19  }
0x30: {  	s19 =	sshll.u32 @!p1 s13, $0xB;
	s18 =	sor.u32 @!p1 s20, s18;
	s20 =	sshrl.u32 @!p1 s11, $0x2  }
0x31: {  	s21 =	sxor.u32 @!p1 $0xFFFFFFFF, s14;
	s19 =	sadd.s32 @!p1 s7, s19;
	s20 =	sand.u32 @!p1 $0x400, s20  }
0x32: {  	s21 =	sshll.u32 @!p1 s21, $0xE;
	s19 =	sadd.s32 @!p1 s20, s19;
	s20 =	sand.u32 @!p1 $0x7, s11  }
0x33: {  	s21 =	sand.u32 @!p1 $0x4000, s21;
	s18 =	sshrl.u32 @!p1 s18, $0x3;
	s20 =	sshll.u32 @!p1 s20, $0x12  }
0x34: {  	s18 =	sadd.s32 @!p1 s18, s19;
	s19 =	sor.u32 @!p1 $0x80, s20;
	s20 =	simm.s32 @!p1 $0x4000  }
0x35: {  	[tilespmem:s21], [sflag:$0x1] =	stream.strided.gather @!p1 [hbm4b:s18+s19], $0x4000, s20, s19, $0x38;
	[tilespmem:$0x10100] =	vst v63  }
0x36: {  	p1 =	sge.u32 s31, s6  }
.Ltmp2:
0x37: {  	_ = 	snop;
	(pc) =	sbr.rel @p1 .LBB1_5-.Ltmp2, $1  }
0x38: {  	_ =	sdelay $0x3  }
0x39: {  	s18 =	simm.s32 $0x1  }
0x3a: {  	_ =	swait.ge [sflag:s5], $0x4000;
	s18 =	simm.s32 @!p0 $0x0  }
0x3b: {  	[sflag:s5] =	ssyncset.done $0x0;
	s19 =	sshll.u32 s18, $0xE  }
0x3c: {  	[sflag:s5] =	ssyncadd.s32 $0xFFFFC000;
	s20 =	sor.u32 $0x40, s19  }
0x3d: {  	s18 =	smul.u32 $0x10200, s18;
	v0 =	vld [tilespmem:s20+$0x30]  }
0x3e: {  	v3 =	vld [tilespmem:s20+$0xFFFFFFD0]  }
0x3f: {  	s18 =	sshrl.u32 s18, $0x2;
	v4 =	vld [tilespmem:s20+$0xFFFFFFE0]  }
0x40: {  	v5 =	vld [tilespmem:s20+$0xFFFFFFF0];
	s19 =	sor.u32 $0x8000, s18  }
0x41: {  	s31 =	sand.u32 $0x1, s14;
	v1 =	vld [tilespmem:s20+$0x0];
	s21 =	sadd.s32 $0x0, s19  }
0x42: {  	v2 =	vld [tilespmem:s20+$0x10];
	s18 =	smul.u32 $0x10200, s31;
	[tilespmem:s21+$0x3870 ss:$0x81] =	vst.msk $0xffff, v0  }
0x43: {  	[tilespmem:s21+$0x810 ss:$0x81] =	vst.msk $0xffff, v3;
	v3 =	vld [tilespmem:s20+$0x20]  }
0x44: {  	s18 =	sshrl.u32 s18, $0x2;
	v0 =	vld [tilespmem:s20+$0xFFFFFFC0];
	[tilespmem:s21+$0x1020 ss:$0x81] =	vst.msk $0xffff, v4;
	s20 =	sadd.s32 $0x80, s20  }
0x45: {  	s22 =	simm.s32 $0x4;
	s23 =	simm.s32 $0x8;
	s18 =	sor.u32 $0x8000, s18;
	[tilespmem:s21+$0x1830 ss:$0x81] =	vst.msk $0xffff, v5;
	v4 =	vld [tilespmem:s20+$0x30]  }
.LBB1_3:
0x46: {  	p1 =	sne.s32 s23, $0x1FC;
	v5 =	vld [tilespmem:s20+$0xFFFFFFD0];
	[tilespmem:s21+$0x2040 ss:$0x81] =	vst.msk $0xffff, v1  }
0x47: {  	v6 =	vld [tilespmem:s20+$0xFFFFFFE0];
	[tilespmem:s21+$0x2850 ss:$0x81] =	vst.msk $0xffff, v2  }
0x48: {  	s24 =	sshra.s32 s22, $0x2;
	s22 =	smov.u32 s23;
	v7 =	vld [tilespmem:s20+$0xFFFFFFF0];
	[tilespmem:s21+$0x3060 ss:$0x81] =	vst.msk $0xffff, v3  }
.Ltmp3:
0x49: {  	v1 =	vld [tilespmem:s20+$0x0];
	[tilespmem:s21+$0x0 ss:$0x81] =	vst.msk $0xffff, v0;
	s21 =	sadd.s32 s24, s19;
	(pc) =	sbr.rel @p1 .LBB1_3-.Ltmp3, $4  }
0x4a: {  	v2 =	vld [tilespmem:s20+$0x10];
	[tilespmem:s21+$0x3870 ss:$0x81] =	vst.msk $0xffff, v4  }
0x4b: {  	[tilespmem:s21+$0x810 ss:$0x81] =	vst.msk $0xffff, v5;
	v3 =	vld [tilespmem:s20+$0x20]  }
0x4c: {  	v0 =	vld [tilespmem:s20+$0xFFFFFFC0];
	[tilespmem:s21+$0x1020 ss:$0x81] =	vst.msk $0xffff, v6;
	s20 =	sadd.s32 $0x80, s20  }
0x4d: {  	s23 =	sadd.s32 $0x4, s23;
	v4 =	vld [tilespmem:s20+$0x30];
	[tilespmem:s21+$0x1830 ss:$0x81] =	vst.msk $0xffff, v7  }
.Ltmp4:
0x4e: {  	_ = 	snop;
	(pc) =	sbr.rel .LBB1_4-.Ltmp4, $1  }
0x4f: {  	_ =	sdelay $0x3  }
.LBB1_6:
0x50: {  	_ =	sfence.sel $0x180000  }
0x51: {  	s1 =	simm.s32 $0x1;
	[bflag:$0x0] =	sbarrier.arrive $0xFFFF  }
0x52: {  	s31 =	simm.s32 $0x2;
	[sflag:s1] =	ssyncpa.u1 $0x1  }
0x53: {  	[sflag:s31] =	ssyncpa.u1 $0x1  }
0x54: {  	p0 =	sne.s32 s0, $0x0;
	_ =	strace $0x9000004A  }
0x55: {  	s0 =	sadd.s32 @!p0 $0x100000, s4;
	[bflag:$0x2] =	sbarrier.arrive $0xFFFF  }
0x56: {  	[sflag:s0] =	ssyncadd.tile.s32 @!p0 $0x1;
	_ =	shalt  }
.Lfunc_end1:
_tile_overlayer_lowered:
.L_overlay_start_2:
0x57: {  	(tag) =	ssettag $0x2  }
0x58: {  	s0 =	rddreg [dreg:$0x0];
	s2 =	stileid.u32  }
0x59: {  	s1 =	rddreg [dreg:$0x1];
	p0 =	sne.s32 s2, $0x0  }
0x5a: {  	s3 =	rddreg [dreg:$0x2];
	[bflag:$0x3] =	sbarrier.arrive $0xFFFF;
	s2 =	simm.s32 @!p0 $0x1C01  }
0x5b: {  	[timem:s3], [sflag:s2] =	dma.local @!p0 [hbm:s0], s1  }
0x5c: {  	s0 =	simm.s32 @!p0 $0x1  }
0x5d: {  	_ =	swait.ge @!p0 [sflag:s0], s1  }
0x5e: {  	s1 =	ssub.s32 @!p0 $0x0, s1;
	[sflag:s0] =	ssyncset.done @!p0 $0x0  }
0x5f: {  	[sflag:s0] =	ssyncadd.s32 @!p0 s1  }
0x60: {  	[bflag:$0x3] =	sbarrier.arrive $0xFFFF  }
0x61: {  	_ =	shalt  }

</sc_bundles>
